<compile_context>
chip_gen: v7x
topology: tpu7x:2x2x1
jax: 0.10.2.dev20260603
libtpu: 0.0.44.dev20260713+nightly
codegen_flags: <defaults>
</compile_context>

<pallas_src>
import functools

import jax
import jax.numpy as jnp
from jax import lax
from jax.experimental import pallas as pl
from jax.experimental.pallas import tpu as pltpu
from jax.experimental.pallas import tpu_sc as plsc

N_FACTORS = 32
BATCH = 16384
NUM_CORES = 2
NUM_SUBCORES = 16
LANES = 16
NUM_WORKERS = NUM_CORES * NUM_SUBCORES
BPW = BATCH // NUM_WORKERS
GROUPS = BPW // LANES


def _bmf_body(user_hbm, item_hbm, uf_hbm, if_hbm, ub_hbm, ib_hbm, out_hbm,
              uidx, iidx, urows, irows, ubv, ibv, outv, sem):
    wid = lax.axis_index("s") * NUM_CORES + lax.axis_index("c")
    base = wid * BPW

    pltpu.sync_copy(user_hbm.at[pl.ds(base, BPW)], uidx)
    pltpu.sync_copy(item_hbm.at[pl.ds(base, BPW)], iidx)

    cu = pltpu.async_copy(uf_hbm.at[uidx], urows, sem)
    ci = pltpu.async_copy(if_hbm.at[iidx], irows, sem)
    cub = pltpu.async_copy(ub_hbm.at[uidx], ubv, sem)
    cib = pltpu.async_copy(ib_hbm.at[iidx], ibv, sem)
    cu.wait()
    ci.wait()
    cub.wait()
    cib.wait()

    lane15 = lax.iota(jnp.int32, LANES) == (LANES - 1)

    def dot_step(g, carry):
        p = (urows[g, pl.ds(0, LANES)] * irows[g, pl.ds(0, LANES)]
             + urows[g, pl.ds(LANES, LANES)] * irows[g, pl.ds(LANES, LANES)])
        tot = plsc.cumsum(p)
        plsc.store_compressed(outv.at[pl.ds(g, LANES)], tot, mask=lane15)
        return carry

    lax.fori_loop(0, BPW, dot_step, 0, unroll=4)

    def bias_step(j, carry):
        s = pl.ds(j * LANES, LANES)
        outv[s] = outv[s] + ubv[s] + ibv[s]
        return carry

    lax.fori_loop(0, GROUPS, bias_step, 0, unroll=4)

    pltpu.sync_copy(outv.at[pl.ds(0, BPW)], out_hbm.at[pl.ds(base, BPW)])


@jax.jit
def _bmf(user, item, user_factors, item_factors, user_biases, item_biases):
    mesh = plsc.VectorSubcoreMesh(core_axis_name="c", subcore_axis_name="s")
    return pl.kernel(
        _bmf_body,
        out_type=jax.ShapeDtypeStruct((BATCH,), jnp.float32),
        mesh=mesh,
        compiler_params=pltpu.CompilerParams(
            needs_layout_passes=False, use_tc_tiling_on_sc=False),
        scratch_types=[
            pltpu.VMEM((BPW,), jnp.int32),
            pltpu.VMEM((BPW,), jnp.int32),
            pltpu.VMEM((BPW, N_FACTORS), jnp.float32),
            pltpu.VMEM((BPW, N_FACTORS), jnp.float32),
            pltpu.VMEM((BPW,), jnp.float32),
            pltpu.VMEM((BPW,), jnp.float32),
            pltpu.VMEM((BPW + LANES,), jnp.float32),
            pltpu.SemaphoreType.DMA,
        ],
    )(user, item, user_factors, item_factors, user_biases, item_biases)


def kernel(user, item, user_factors, item_factors, user_biases, item_biases):
    return _bmf(user, item, user_factors, item_factors,
                jnp.squeeze(user_biases, axis=1), jnp.squeeze(item_biases, axis=1))

# --- scband reference (transcript-rebuilt; emitter-appended) ---
"""Pipeline reference for scband-biased-matrix-factorization-25134148616899 (READ-ONLY COPY).

The authoritative reference and input builder live on the scoring server;
editing this copy changes nothing except your own understanding.
"""

import jax, jax.numpy as jnp
import numpy as np

N_USERS = 1000000
N_ITEMS = 1000000
N_FACTORS = 32
BATCH = 16384


def setup_inputs(seed: int = 0) -> dict:
    key = jax.random.key(seed)
    k_user, k_item, k_uf, k_if, k_ub, k_ib = jax.random.split(key, 6)
    user = jax.random.randint(k_user, (BATCH,), 0, N_USERS, dtype=jnp.int64 if jax.config.jax_enable_x64 else jnp.int32)
    item = jax.random.randint(k_item, (BATCH,), 0, N_ITEMS, dtype=jnp.int64 if jax.config.jax_enable_x64 else jnp.int32)
    user_factors = jax.random.normal(k_uf, (N_USERS, N_FACTORS), dtype=jnp.float32)
    item_factors = jax.random.normal(k_if, (N_ITEMS, N_FACTORS), dtype=jnp.float32)
    user_biases = jax.random.normal(k_ub, (N_USERS, 1), dtype=jnp.float32)
    item_biases = jax.random.normal(k_ib, (N_ITEMS, 1), dtype=jnp.float32)
    return {
        "user": user,
        "item": item,
        "user_factors": user_factors,
        "item_factors": item_factors,
        "user_biases": user_biases,
        "item_biases": item_biases,
    }


def reference(user, item, user_factors, item_factors, user_biases, item_biases):
    # pred = user_biases(user) + item_biases(item)
    pred = jnp.take(user_biases, user, axis=0) + jnp.take(item_biases, item, axis=0)
    # pred += (user_factors(user) * item_factors(item)).sum(dim=1, keepdim=True)
    uf = jnp.take(user_factors, user, axis=0)
    itf = jnp.take(item_factors, item, axis=0)
    pred = pred + jnp.sum(uf * itf, axis=1, keepdims=True)
    return jnp.squeeze(pred)

if __name__ == "__main__":
    import jax
    _d = setup_inputs()
    print(jax.jit(kernel)(*tuple(_d.values())))

</pallas_src>

<mosaic_0001>
#map = affine_map<(d0, d1) -> (0)>
#map1 = affine_map<(d0, d1) -> (0, 0)>
module attributes {stable_mosaic.version = 14 : i64} {
  func.func @_bmf_body(%arg0: i32, %arg1: i32, %arg2: memref<16384xi32, #tpu.memory_space<hbm>>, %arg3: memref<16384xi32, #tpu.memory_space<hbm>>, %arg4: memref<1000000x32xf32, #tpu.memory_space<hbm>>, %arg5: memref<1000000x32xf32, #tpu.memory_space<hbm>>, %arg6: memref<1000000xf32, #tpu.memory_space<hbm>>, %arg7: memref<1000000xf32, #tpu.memory_space<hbm>>, %arg8: memref<16384xf32, #tpu.memory_space<hbm>>, %arg9: memref<512xi32, #tpu.memory_space<vmem>>, %arg10: memref<512xi32, #tpu.memory_space<vmem>>, %arg11: memref<512x32xf32, #tpu.memory_space<vmem>>, %arg12: memref<512x32xf32, #tpu.memory_space<vmem>>, %arg13: memref<512xf32, #tpu.memory_space<vmem>>, %arg14: memref<512xf32, #tpu.memory_space<vmem>>, %arg15: memref<528xf32, #tpu.memory_space<vmem>>, %arg16: memref<!tpu.dma_semaphore, #tpu.memory_space<semaphore_mem>>) attributes {dimension_semantics = [#tpu.dimension_semantics<core_parallel>, #tpu.dimension_semantics<subcore_parallel>], iteration_bounds = array<i64: 2, 16>, scalar_prefetch = 0 : i64, scratch_operands = 8 : i64, tpu.core_type = #tpu.core_type<sc_vector_subcore>, window_params = [{transform_indices = #map}, {transform_indices = #map}, {transform_indices = #map1}, {transform_indices = #map1}, {transform_indices = #map}, {transform_indices = #map}, {transform_indices = #map}]} {
    %mul3A = arith.constant 2 : i32
    %mul3A_0 = arith.muli %arg1, %mul3A : i32
    %add3A = arith.addi %mul3A_0, %arg0 : i32
    %mul3A_1 = arith.constant 512 : i32
    %mul3A_2 = arith.muli %add3A, %mul3A_1 : i32
    "tpu.region"() ({
      %run_scoped3A = tpu.sem_alloc : memref<!tpu.dma_semaphore, #tpu.memory_space<semaphore_mem>>
      %dma_start3A_34 = tpu.memref_slice %arg2[%mul3A_2] : memref<16384xi32, #tpu.memory_space<hbm>> -> memref<512xi32, #tpu.memory_space<hbm>>
      %dma_start3A_35 = tpu.memref_slice %arg2[%mul3A_2] : memref<16384xi32, #tpu.memory_space<hbm>> -> memref<512xi32, #tpu.memory_space<hbm>>
      tpu.enqueue_dma source(%dma_start3A_35 : memref<512xi32, #tpu.memory_space<hbm>>) target(%arg9 : memref<512xi32, #tpu.memory_space<vmem>>) target_semaphore(%run_scoped3A : memref<!tpu.dma_semaphore, #tpu.memory_space<semaphore_mem>>)
      %dma_wait3A_36 = tpu.memref_slice %arg2[%mul3A_2] : memref<16384xi32, #tpu.memory_space<hbm>> -> memref<512xi32, #tpu.memory_space<hbm>>
      %dma_wait3A_37 = tpu.memref_slice %arg2[%mul3A_2] : memref<16384xi32, #tpu.memory_space<hbm>> -> memref<512xi32, #tpu.memory_space<hbm>>
      tpu.wait_dma2 semaphore(%run_scoped3A : memref<!tpu.dma_semaphore, #tpu.memory_space<semaphore_mem>>) src(%dma_wait3A_37 : memref<512xi32, #tpu.memory_space<hbm>>) dst(%arg9 : memref<512xi32, #tpu.memory_space<vmem>>)
      tpu.yield
    }) : () -> ()
    "tpu.region"() ({
      %run_scoped3A = tpu.sem_alloc : memref<!tpu.dma_semaphore, #tpu.memory_space<semaphore_mem>>
      %dma_start3A_34 = tpu.memref_slice %arg3[%mul3A_2] : memref<16384xi32, #tpu.memory_space<hbm>> -> memref<512xi32, #tpu.memory_space<hbm>>
      %dma_start3A_35 = tpu.memref_slice %arg3[%mul3A_2] : memref<16384xi32, #tpu.memory_space<hbm>> -> memref<512xi32, #tpu.memory_space<hbm>>
      tpu.enqueue_dma source(%dma_start3A_35 : memref<512xi32, #tpu.memory_space<hbm>>) target(%arg10 : memref<512xi32, #tpu.memory_space<vmem>>) target_semaphore(%run_scoped3A : memref<!tpu.dma_semaphore, #tpu.memory_space<semaphore_mem>>)
      %dma_wait3A_36 = tpu.memref_slice %arg3[%mul3A_2] : memref<16384xi32, #tpu.memory_space<hbm>> -> memref<512xi32, #tpu.memory_space<hbm>>
      %dma_wait3A_37 = tpu.memref_slice %arg3[%mul3A_2] : memref<16384xi32, #tpu.memory_space<hbm>> -> memref<512xi32, #tpu.memory_space<hbm>>
      tpu.wait_dma2 semaphore(%run_scoped3A : memref<!tpu.dma_semaphore, #tpu.memory_space<semaphore_mem>>) src(%dma_wait3A_37 : memref<512xi32, #tpu.memory_space<hbm>>) dst(%arg10 : memref<512xi32, #tpu.memory_space<vmem>>)
      tpu.yield
    }) : () -> ()
    %dma_start3A = arith.constant 0 : i32
    %dma_start3A_3 = arith.constant 0 : i32
    %dma_start3A_4 = tpu.memref_slice %arg4[%dma_start3A, %dma_start3A_3] : memref<1000000x32xf32, #tpu.memory_space<hbm>> -> memref<1000000x32xf32, #tpu.memory_space<hbm>>
    tpu.enqueue_indirect_dma source(%dma_start3A_4 : memref<1000000x32xf32, #tpu.memory_space<hbm>>) target(%arg11 : memref<512x32xf32, #tpu.memory_space<vmem>>) offsets(%arg9 : memref<512xi32, #tpu.memory_space<vmem>>) semaphore(%arg16 : memref<!tpu.dma_semaphore, #tpu.memory_space<semaphore_mem>>)
    %dma_start3A_5 = arith.constant 0 : i32
    %dma_start3A_6 = arith.constant 0 : i32
    %dma_start3A_7 = tpu.memref_slice %arg5[%dma_start3A_5, %dma_start3A_6] : memref<1000000x32xf32, #tpu.memory_space<hbm>> -> memref<1000000x32xf32, #tpu.memory_space<hbm>>
    tpu.enqueue_indirect_dma source(%dma_start3A_7 : memref<1000000x32xf32, #tpu.memory_space<hbm>>) target(%arg12 : memref<512x32xf32, #tpu.memory_space<vmem>>) offsets(%arg10 : memref<512xi32, #tpu.memory_space<vmem>>) semaphore(%arg16 : memref<!tpu.dma_semaphore, #tpu.memory_space<semaphore_mem>>)
    %dma_start3A_8 = arith.constant 0 : i32
    %dma_start3A_9 = tpu.memref_slice %arg6[%dma_start3A_8] : memref<1000000xf32, #tpu.memory_space<hbm>> -> memref<1000000xf32, #tpu.memory_space<hbm>>
    tpu.enqueue_indirect_dma source(%dma_start3A_9 : memref<1000000xf32, #tpu.memory_space<hbm>>) target(%arg13 : memref<512xf32, #tpu.memory_space<vmem>>) offsets(%arg9 : memref<512xi32, #tpu.memory_space<vmem>>) semaphore(%arg16 : memref<!tpu.dma_semaphore, #tpu.memory_space<semaphore_mem>>)
    %dma_start3A_10 = arith.constant 0 : i32
    %dma_start3A_11 = tpu.memref_slice %arg7[%dma_start3A_10] : memref<1000000xf32, #tpu.memory_space<hbm>> -> memref<1000000xf32, #tpu.memory_space<hbm>>
    tpu.enqueue_indirect_dma source(%dma_start3A_11 : memref<1000000xf32, #tpu.memory_space<hbm>>) target(%arg14 : memref<512xf32, #tpu.memory_space<vmem>>) offsets(%arg10 : memref<512xi32, #tpu.memory_space<vmem>>) semaphore(%arg16 : memref<!tpu.dma_semaphore, #tpu.memory_space<semaphore_mem>>)
    %dma_wait3A = arith.constant 0 : i32
    %dma_wait3A_12 = arith.constant 0 : i32
    %dma_wait3A_13 = tpu.memref_slice %arg4[%dma_wait3A, %dma_wait3A_12] : memref<1000000x32xf32, #tpu.memory_space<hbm>> -> memref<1000000x32xf32, #tpu.memory_space<hbm>>
    tpu.wait_indirect_dma semaphore(%arg16 : memref<!tpu.dma_semaphore, #tpu.memory_space<semaphore_mem>>) src(%dma_wait3A_13 : memref<1000000x32xf32, #tpu.memory_space<hbm>>) dst(%arg11 : memref<512x32xf32, #tpu.memory_space<vmem>>)
    %dma_wait3A_14 = arith.constant 0 : i32
    %dma_wait3A_15 = arith.constant 0 : i32
    %dma_wait3A_16 = tpu.memref_slice %arg5[%dma_wait3A_14, %dma_wait3A_15] : memref<1000000x32xf32, #tpu.memory_space<hbm>> -> memref<1000000x32xf32, #tpu.memory_space<hbm>>
    tpu.wait_indirect_dma semaphore(%arg16 : memref<!tpu.dma_semaphore, #tpu.memory_space<semaphore_mem>>) src(%dma_wait3A_16 : memref<1000000x32xf32, #tpu.memory_space<hbm>>) dst(%arg12 : memref<512x32xf32, #tpu.memory_space<vmem>>)
    %dma_wait3A_17 = arith.constant 0 : i32
    %dma_wait3A_18 = tpu.memref_slice %arg6[%dma_wait3A_17] : memref<1000000xf32, #tpu.memory_space<hbm>> -> memref<1000000xf32, #tpu.memory_space<hbm>>
    tpu.wait_indirect_dma semaphore(%arg16 : memref<!tpu.dma_semaphore, #tpu.memory_space<semaphore_mem>>) src(%dma_wait3A_18 : memref<1000000xf32, #tpu.memory_space<hbm>>) dst(%arg13 : memref<512xf32, #tpu.memory_space<vmem>>)
    %dma_wait3A_19 = arith.constant 0 : i32
    %dma_wait3A_20 = tpu.memref_slice %arg7[%dma_wait3A_19] : memref<1000000xf32, #tpu.memory_space<hbm>> -> memref<1000000xf32, #tpu.memory_space<hbm>>
    tpu.wait_indirect_dma semaphore(%arg16 : memref<!tpu.dma_semaphore, #tpu.memory_space<semaphore_mem>>) src(%dma_wait3A_20 : memref<1000000xf32, #tpu.memory_space<hbm>>) dst(%arg14 : memref<512xf32, #tpu.memory_space<vmem>>)
    %iota3A = tpu.iota {dimensions = array<i32: 0>} : vector<16xi32>
    %eq3A = arith.constant 15 : i32
    %eq3A_21 = vector.broadcast %eq3A : i32 to vector<16xi32>
    %eq3A_22 = arith.cmpi eq, %iota3A, %eq3A_21 : vector<16xi32>
    %scan3A = arith.constant 0 : i32
    %scan3A_23 = arith.constant 0 : i32
    %scan3A_24 = arith.constant 512 : i32
    %scan3A_25 = arith.addi %scan3A_23, %scan3A_24 : i32
    %scan3A_26 = arith.constant 4 : i32
    scf.for %scan3A_34 = %scan3A_23 to %scan3A_25 step %scan3A_26  : i32 {
      %get3A = arith.index_cast %scan3A_34 : i32 to index
      %get3A_35 = arith.constant 0 : index
      %get3A_36 = tpu.vector_load %arg11[%get3A, %get3A_35] {strides = array<i32>} : memref<512x32xf32, #tpu.memory_space<vmem>>, vector<16xf32>,
      %get3A_37 = arith.index_cast %scan3A_34 : i32 to index
      %get3A_38 = arith.constant 0 : index
      %get3A_39 = tpu.vector_load %arg12[%get3A_37, %get3A_38] {strides = array<i32>} : memref<512x32xf32, #tpu.memory_space<vmem>>, vector<16xf32>,
      %mul3A_40 = arith.mulf %get3A_36, %get3A_39 : vector<16xf32>
      %get3A_41 = arith.index_cast %scan3A_34 : i32 to index
      %get3A_42 = arith.constant 16 : index
      %get3A_43 = tpu.vector_load %arg11[%get3A_41, %get3A_42] {strides = array<i32>} : memref<512x32xf32, #tpu.memory_space<vmem>>, vector<16xf32>,
      %get3A_44 = arith.index_cast %scan3A_34 : i32 to index
      %get3A_45 = arith.constant 16 : index
      %get3A_46 = tpu.vector_load %arg12[%get3A_44, %get3A_45] {strides = array<i32>} : memref<512x32xf32, #tpu.memory_space<vmem>>, vector<16xf32>,
      %mul3A_47 = arith.mulf %get3A_43, %get3A_46 : vector<16xf32>
      %add3A_48 = arith.addf %mul3A_40, %mul3A_47 : vector<16xf32>
      %broadcast_in_dim3A = arith.constant true
      %broadcast_in_dim3A_49 = vector.broadcast %broadcast_in_dim3A : i1 to vector<16xi1>
      %masked_cumsum3A = tpu.scan <sum>, %add3A_48 masked %broadcast_in_dim3A_49 : vector<16xf32>, vector<16xi1> -> vector<16xf32>
      %swap3A = arith.index_cast %scan3A_34 : i32 to index
      %swap3A_50 = tpu.vector_load %arg15[%swap3A] masked %eq3A_22 {strides = array<i32>} : memref<528xf32, #tpu.memory_space<vmem>>, vector<16xf32>, vector<16xi1>
      tpu.vector_store %arg15[%swap3A], %masked_cumsum3A masked %eq3A_22 {strides = array<i32>} : memref<528xf32, #tpu.memory_space<vmem>>, vector<16xf32>, vector<16xi1>
      %scan3A_51 = arith.constant 1 : i32
      %scan3A_52 = arith.addi %scan3A_34, %scan3A_51 : i32
      %get3A_53 = arith.index_cast %scan3A_52 : i32 to index
      %get3A_54 = arith.constant 0 : index
      %get3A_55 = tpu.vector_load %arg11[%get3A_53, %get3A_54] {strides = array<i32>} : memref<512x32xf32, #tpu.memory_space<vmem>>, vector<16xf32>,
      %get3A_56 = arith.index_cast %scan3A_52 : i32 to index
      %get3A_57 = arith.constant 0 : index
      %get3A_58 = tpu.vector_load %arg12[%get3A_56, %get3A_57] {strides = array<i32>} : memref<512x32xf32, #tpu.memory_space<vmem>>, vector<16xf32>,
      %mul3A_59 = arith.mulf %get3A_55, %get3A_58 : vector<16xf32>
      %get3A_60 = arith.index_cast %scan3A_52 : i32 to index
      %get3A_61 = arith.constant 16 : index
      %get3A_62 = tpu.vector_load %arg11[%get3A_60, %get3A_61] {strides = array<i32>} : memref<512x32xf32, #tpu.memory_space<vmem>>, vector<16xf32>,
      %get3A_63 = arith.index_cast %scan3A_52 : i32 to index
      %get3A_64 = arith.constant 16 : index
      %get3A_65 = tpu.vector_load %arg12[%get3A_63, %get3A_64] {strides = array<i32>} : memref<512x32xf32, #tpu.memory_space<vmem>>, vector<16xf32>,
      %mul3A_66 = arith.mulf %get3A_62, %get3A_65 : vector<16xf32>
      %add3A_67 = arith.addf %mul3A_59, %mul3A_66 : vector<16xf32>
      %broadcast_in_dim3A_68 = arith.constant true
      %broadcast_in_dim3A_69 = vector.broadcast %broadcast_in_dim3A_68 : i1 to vector<16xi1>
      %masked_cumsum3A_70 = tpu.scan <sum>, %add3A_67 masked %broadcast_in_dim3A_69 : vector<16xf32>, vector<16xi1> -> vector<16xf32>
      %swap3A_71 = arith.index_cast %scan3A_52 : i32 to index
      %swap3A_72 = tpu.vector_load %arg15[%swap3A_71] masked %eq3A_22 {strides = array<i32>} : memref<528xf32, #tpu.memory_space<vmem>>, vector<16xf32>, vector<16xi1>
      tpu.vector_store %arg15[%swap3A_71], %masked_cumsum3A_70 masked %eq3A_22 {strides = array<i32>} : memref<528xf32, #tpu.memory_space<vmem>>, vector<16xf32>, vector<16xi1>
      %scan3A_73 = arith.constant 2 : i32
      %scan3A_74 = arith.addi %scan3A_34, %scan3A_73 : i32
      %get3A_75 = arith.index_cast %scan3A_74 : i32 to index
      %get3A_76 = arith.constant 0 : index
      %get3A_77 = tpu.vector_load %arg11[%get3A_75, %get3A_76] {strides = array<i32>} : memref<512x32xf32, #tpu.memory_space<vmem>>, vector<16xf32>,
      %get3A_78 = arith.index_cast %scan3A_74 : i32 to index
      %get3A_79 = arith.constant 0 : index
      %get3A_80 = tpu.vector_load %arg12[%get3A_78, %get3A_79] {strides = array<i32>} : memref<512x32xf32, #tpu.memory_space<vmem>>, vector<16xf32>,
      %mul3A_81 = arith.mulf %get3A_77, %get3A_80 : vector<16xf32>
      %get3A_82 = arith.index_cast %scan3A_74 : i32 to index
      %get3A_83 = arith.constant 16 : index
      %get3A_84 = tpu.vector_load %arg11[%get3A_82, %get3A_83] {strides = array<i32>} : memref<512x32xf32, #tpu.memory_space<vmem>>, vector<16xf32>,
      %get3A_85 = arith.index_cast %scan3A_74 : i32 to index
      %get3A_86 = arith.constant 16 : index
      %get3A_87 = tpu.vector_load %arg12[%get3A_85, %get3A_86] {strides = array<i32>} : memref<512x32xf32, #tpu.memory_space<vmem>>, vector<16xf32>,
      %mul3A_88 = arith.mulf %get3A_84, %get3A_87 : vector<16xf32>
      %add3A_89 = arith.addf %mul3A_81, %mul3A_88 : vector<16xf32>
      %broadcast_in_dim3A_90 = arith.constant true
      %broadcast_in_dim3A_91 = vector.broadcast %broadcast_in_dim3A_90 : i1 to vector<16xi1>
      %masked_cumsum3A_92 = tpu.scan <sum>, %add3A_89 masked %broadcast_in_dim3A_91 : vector<16xf32>, vector<16xi1> -> vector<16xf32>
      %swap3A_93 = arith.index_cast %scan3A_74 : i32 to index
      %swap3A_94 = tpu.vector_load %arg15[%swap3A_93] masked %eq3A_22 {strides = array<i32>} : memref<528xf32, #tpu.memory_space<vmem>>, vector<16xf32>, vector<16xi1>
      tpu.vector_store %arg15[%swap3A_93], %masked_cumsum3A_92 masked %eq3A_22 {strides = array<i32>} : memref<528xf32, #tpu.memory_space<vmem>>, vector<16xf32>, vector<16xi1>
      %scan3A_95 = arith.constant 3 : i32
      %scan3A_96 = arith.addi %scan3A_34, %scan3A_95 : i32
      %get3A_97 = arith.index_cast %scan3A_96 : i32 to index
      %get3A_98 = arith.constant 0 : index
      %get3A_99 = tpu.vector_load %arg11[%get3A_97, %get3A_98] {strides = array<i32>} : memref<512x32xf32, #tpu.memory_space<vmem>>, vector<16xf32>,
      %get3A_100 = arith.index_cast %scan3A_96 : i32 to index
      %get3A_101 = arith.constant 0 : index
      %get3A_102 = tpu.vector_load %arg12[%get3A_100, %get3A_101] {strides = array<i32>} : memref<512x32xf32, #tpu.memory_space<vmem>>, vector<16xf32>,
      %mul3A_103 = arith.mulf %get3A_99, %get3A_102 : vector<16xf32>
      %get3A_104 = arith.index_cast %scan3A_96 : i32 to index
      %get3A_105 = arith.constant 16 : index
      %get3A_106 = tpu.vector_load %arg11[%get3A_104, %get3A_105] {strides = array<i32>} : memref<512x32xf32, #tpu.memory_space<vmem>>, vector<16xf32>,
      %get3A_107 = arith.index_cast %scan3A_96 : i32 to index
      %get3A_108 = arith.constant 16 : index
      %get3A_109 = tpu.vector_load %arg12[%get3A_107, %get3A_108] {strides = array<i32>} : memref<512x32xf32, #tpu.memory_space<vmem>>, vector<16xf32>,
      %mul3A_110 = arith.mulf %get3A_106, %get3A_109 : vector<16xf32>
      %add3A_111 = arith.addf %mul3A_103, %mul3A_110 : vector<16xf32>
      %broadcast_in_dim3A_112 = arith.constant true
      %broadcast_in_dim3A_113 = vector.broadcast %broadcast_in_dim3A_112 : i1 to vector<16xi1>
      %masked_cumsum3A_114 = tpu.scan <sum>, %add3A_111 masked %broadcast_in_dim3A_113 : vector<16xf32>, vector<16xi1> -> vector<16xf32>
      %swap3A_115 = arith.index_cast %scan3A_96 : i32 to index
      %swap3A_116 = tpu.vector_load %arg15[%swap3A_115] masked %eq3A_22 {strides = array<i32>} : memref<528xf32, #tpu.memory_space<vmem>>, vector<16xf32>, vector<16xi1>
      tpu.vector_store %arg15[%swap3A_115], %masked_cumsum3A_114 masked %eq3A_22 {strides = array<i32>} : memref<528xf32, #tpu.memory_space<vmem>>, vector<16xf32>, vector<16xi1>
    }
    %scan3A_27 = arith.constant 512 : i32
    %scan3A_28 = arith.constant 0 : i32
    %scan3A_29 = arith.constant 0 : i32
    %scan3A_30 = arith.constant 32 : i32
    %scan3A_31 = arith.addi %scan3A_29, %scan3A_30 : i32
    %scan3A_32 = arith.constant 4 : i32
    scf.for %scan3A_34 = %scan3A_29 to %scan3A_31 step %scan3A_32  : i32 {
      %mul3A_35 = arith.constant 16 : i32
      %mul3A_36 = arith.muli %scan3A_34, %mul3A_35 : i32
      %get3A = arith.index_cast %mul3A_36 : i32 to index
      %get3A_37 = tpu.vector_load %arg15[%get3A] {strides = array<i32>} : memref<528xf32, #tpu.memory_space<vmem>>, vector<16xf32>,
      %get3A_38 = arith.index_cast %mul3A_36 : i32 to index
      %get3A_39 = tpu.vector_load %arg13[%get3A_38] {strides = array<i32>} : memref<512xf32, #tpu.memory_space<vmem>>, vector<16xf32>,
      %add3A_40 = arith.addf %get3A_37, %get3A_39 : vector<16xf32>
      %get3A_41 = arith.index_cast %mul3A_36 : i32 to index
      %get3A_42 = tpu.vector_load %arg14[%get3A_41] {strides = array<i32>} : memref<512xf32, #tpu.memory_space<vmem>>, vector<16xf32>,
      %add3A_43 = arith.addf %add3A_40, %get3A_42 : vector<16xf32>
      %swap3A = arith.index_cast %mul3A_36 : i32 to index
      %swap3A_44 = tpu.vector_load %arg15[%swap3A] {strides = array<i32>} : memref<528xf32, #tpu.memory_space<vmem>>, vector<16xf32>,
      tpu.vector_store %arg15[%swap3A], %add3A_43 {strides = array<i32>} : memref<528xf32, #tpu.memory_space<vmem>>, vector<16xf32>,
      %scan3A_45 = arith.constant 1 : i32
      %scan3A_46 = arith.addi %scan3A_34, %scan3A_45 : i32
      %mul3A_47 = arith.constant 16 : i32
      %mul3A_48 = arith.muli %scan3A_46, %mul3A_47 : i32
      %get3A_49 = arith.index_cast %mul3A_48 : i32 to index
      %get3A_50 = tpu.vector_load %arg15[%get3A_49] {strides = array<i32>} : memref<528xf32, #tpu.memory_space<vmem>>, vector<16xf32>,
      %get3A_51 = arith.index_cast %mul3A_48 : i32 to index
      %get3A_52 = tpu.vector_load %arg13[%get3A_51] {strides = array<i32>} : memref<512xf32, #tpu.memory_space<vmem>>, vector<16xf32>,
      %add3A_53 = arith.addf %get3A_50, %get3A_52 : vector<16xf32>
      %get3A_54 = arith.index_cast %mul3A_48 : i32 to index
      %get3A_55 = tpu.vector_load %arg14[%get3A_54] {strides = array<i32>} : memref<512xf32, #tpu.memory_space<vmem>>, vector<16xf32>,
      %add3A_56 = arith.addf %add3A_53, %get3A_55 : vector<16xf32>
      %swap3A_57 = arith.index_cast %mul3A_48 : i32 to index
      %swap3A_58 = tpu.vector_load %arg15[%swap3A_57] {strides = array<i32>} : memref<528xf32, #tpu.memory_space<vmem>>, vector<16xf32>,
      tpu.vector_store %arg15[%swap3A_57], %add3A_56 {strides = array<i32>} : memref<528xf32, #tpu.memory_space<vmem>>, vector<16xf32>,
      %scan3A_59 = arith.constant 2 : i32
      %scan3A_60 = arith.addi %scan3A_34, %scan3A_59 : i32
      %mul3A_61 = arith.constant 16 : i32
      %mul3A_62 = arith.muli %scan3A_60, %mul3A_61 : i32
      %get3A_63 = arith.index_cast %mul3A_62 : i32 to index
      %get3A_64 = tpu.vector_load %arg15[%get3A_63] {strides = array<i32>} : memref<528xf32, #tpu.memory_space<vmem>>, vector<16xf32>,
      %get3A_65 = arith.index_cast %mul3A_62 : i32 to index
      %get3A_66 = tpu.vector_load %arg13[%get3A_65] {strides = array<i32>} : memref<512xf32, #tpu.memory_space<vmem>>, vector<16xf32>,
      %add3A_67 = arith.addf %get3A_64, %get3A_66 : vector<16xf32>
      %get3A_68 = arith.index_cast %mul3A_62 : i32 to index
      %get3A_69 = tpu.vector_load %arg14[%get3A_68] {strides = array<i32>} : memref<512xf32, #tpu.memory_space<vmem>>, vector<16xf32>,
      %add3A_70 = arith.addf %add3A_67, %get3A_69 : vector<16xf32>
      %swap3A_71 = arith.index_cast %mul3A_62 : i32 to index
      %swap3A_72 = tpu.vector_load %arg15[%swap3A_71] {strides = array<i32>} : memref<528xf32, #tpu.memory_space<vmem>>, vector<16xf32>,
      tpu.vector_store %arg15[%swap3A_71], %add3A_70 {strides = array<i32>} : memref<528xf32, #tpu.memory_space<vmem>>, vector<16xf32>,
      %scan3A_73 = arith.constant 3 : i32
      %scan3A_74 = arith.addi %scan3A_34, %scan3A_73 : i32
      %mul3A_75 = arith.constant 16 : i32
      %mul3A_76 = arith.muli %scan3A_74, %mul3A_75 : i32
      %get3A_77 = arith.index_cast %mul3A_76 : i32 to index
      %get3A_78 = tpu.vector_load %arg15[%get3A_77] {strides = array<i32>} : memref<528xf32, #tpu.memory_space<vmem>>, vector<16xf32>,
      %get3A_79 = arith.index_cast %mul3A_76 : i32 to index
      %get3A_80 = tpu.vector_load %arg13[%get3A_79] {strides = array<i32>} : memref<512xf32, #tpu.memory_space<vmem>>, vector<16xf32>,
      %add3A_81 = arith.addf %get3A_78, %get3A_80 : vector<16xf32>
      %get3A_82 = arith.index_cast %mul3A_76 : i32 to index
      %get3A_83 = tpu.vector_load %arg14[%get3A_82] {strides = array<i32>} : memref<512xf32, #tpu.memory_space<vmem>>, vector<16xf32>,
      %add3A_84 = arith.addf %add3A_81, %get3A_83 : vector<16xf32>
      %swap3A_85 = arith.index_cast %mul3A_76 : i32 to index
      %swap3A_86 = tpu.vector_load %arg15[%swap3A_85] {strides = array<i32>} : memref<528xf32, #tpu.memory_space<vmem>>, vector<16xf32>,
      tpu.vector_store %arg15[%swap3A_85], %add3A_84 {strides = array<i32>} : memref<528xf32, #tpu.memory_space<vmem>>, vector<16xf32>,
    }
    %scan3A_33 = arith.constant 32 : i32
    "tpu.region"() ({
      %run_scoped3A = tpu.sem_alloc : memref<!tpu.dma_semaphore, #tpu.memory_space<semaphore_mem>>
      %dma_start3A_34 = arith.constant 0 : i32
      %dma_start3A_35 = tpu.memref_slice %arg15[%dma_start3A_34] : memref<528xf32, #tpu.memory_space<vmem>> -> memref<512xf32, #tpu.memory_space<vmem>>
      %dma_start3A_36 = tpu.memref_slice %arg8[%mul3A_2] : memref<16384xf32, #tpu.memory_space<hbm>> -> memref<512xf32, #tpu.memory_space<hbm>>
      %dma_start3A_37 = tpu.memref_slice %arg8[%mul3A_2] : memref<16384xf32, #tpu.memory_space<hbm>> -> memref<512xf32, #tpu.memory_space<hbm>>
      %dma_start3A_38 = arith.constant 0 : i32
      %dma_start3A_39 = tpu.memref_slice %arg15[%dma_start3A_38] : memref<528xf32, #tpu.memory_space<vmem>> -> memref<512xf32, #tpu.memory_space<vmem>>
      tpu.enqueue_dma source(%dma_start3A_39 : memref<512xf32, #tpu.memory_space<vmem>>) target(%dma_start3A_37 : memref<512xf32, #tpu.memory_space<hbm>>) target_semaphore(%run_scoped3A : memref<!tpu.dma_semaphore, #tpu.memory_space<semaphore_mem>>)
      %dma_wait3A_40 = arith.constant 0 : i32
      %dma_wait3A_41 = tpu.memref_slice %arg15[%dma_wait3A_40] : memref<528xf32, #tpu.memory_space<vmem>> -> memref<512xf32, #tpu.memory_space<vmem>>
      %dma_wait3A_42 = tpu.memref_slice %arg8[%mul3A_2] : memref<16384xf32, #tpu.memory_space<hbm>> -> memref<512xf32, #tpu.memory_space<hbm>>
      %dma_wait3A_43 = tpu.memref_slice %arg8[%mul3A_2] : memref<16384xf32, #tpu.memory_space<hbm>> -> memref<512xf32, #tpu.memory_space<hbm>>
      %dma_wait3A_44 = arith.constant 0 : i32
      %dma_wait3A_45 = tpu.memref_slice %arg15[%dma_wait3A_44] : memref<528xf32, #tpu.memory_space<vmem>> -> memref<512xf32, #tpu.memory_space<vmem>>
      tpu.wait_dma2 semaphore(%run_scoped3A : memref<!tpu.dma_semaphore, #tpu.memory_space<semaphore_mem>>) src(%dma_wait3A_45 : memref<512xf32, #tpu.memory_space<vmem>>) dst(%dma_wait3A_43 : memref<512xf32, #tpu.memory_space<hbm>>)
      tpu.yield
    }) : () -> ()
    return
  }
}

</mosaic_0001>

<sc_bundles>
// kernel: _bmf.3.cloned.1.call-start
scs
__scs_entry_jumppad:
0x0: {  	(pc) =	sbr.rel $0x88, $3  }
0x1: {  	(tag) =	ssettag $0x0;
	lr =	simm.s32 $0x1  }
0x2: {  	[smem:$0x3F9B] =	sst lr;
	_ =	strace $0xD0000000  }
0x3: {  	_ = 	snop  }
0x4: {  	_ = 	snop  }
0x5: {  	_ = 	snop  }
0x6: {  	_ = 	snop  }
0x7: {  	_ = 	snop  }
__scs_overlays_trampoline_lowered:
0x8: {  	[smem:$0x3FAA] =	sst s0  }
0x9: {  	[smem:$0x3FAB] =	sst s1  }
0xa: {  	[smem:$0x3FAC] =	sst s2  }
0xb: {  	[smem:$0x3FAD] =	sst s3  }
0xc: {  	[smem:$0x3FAE] =	sst s4  }
0xd: {  	[smem:$0x3FAF] =	sst s5  }
0xe: {  	[smem:$0x3FB0] =	sst s6  }
0xf: {  	[smem:$0x3FB1] =	sst s7  }
0x10: {  	[smem:$0x3FB2] =	sst s8  }
0x11: {  	[smem:$0x3FB3] =	sst s9;
	s0 =	simm.s32 @!p0 $0x0  }
0x12: {  	s1 =	sld [smem:$0x3F99];
	s0 =	simm.s32 @p0 $0x1  }
0x13: {  	[smem:$0x3FB4] =	sst s0;
	s0 =	simm.s32 @!p1 $0x0  }
0x14: {  	s2 =	sld [smem:$0x3F98];
	s0 =	simm.s32 @p1 $0x1  }
0x15: {  	[smem:$0x3FB5] =	sst s0;
	s0 =	simm.s32 @!p2 $0x0  }
0x16: {  	s3 =	sld [smem:$0x3FDB];
	s0 =	simm.s32 @p2 $0x1  }
0x17: {  	s4 =	simm.s32 $0x1BF5;
	[smem:$0x3FB7] =	sst s0  }
0x18: {  	s0 =	sld [smem:$0x3F9A];
	_ =	swait.ge [sflag:s4], $0x0  }
0x19: {  	s7 =	sld [smem:$0x3F9B]  }
0x1a: {  	s8 =	sadd.s32 $0xFFFFE003, lr  }
0x1b: {  	s9 =	sadd.s32 $0xFFFFFEF7, lr;
	s5 =	simm.s32 $0xFFFFFFFF;
	p2 =	slt.u32 s8, $0xFFFFF086  }
0x1c: {  	p1 =	slt.u32 s9, $0xF7A;
	s5 =	simm.s32 @!p2 $0x0  }
0x1d: {  	s5 =	simm.s32 @p1 $0x1;
	p0 =	seq.s32 s7, s2  }
0x1e: {  	s7 =	smul.u32 @!p0 $0xF7A, s2;
	p2 =	seq.s32 @!p0 s5, $0x0  }
0x1f: {  	s9 =	smul.u32 $0xF7A, s1;
	s8 =	simm.s32 @!p0 $0x1BF5;
	p2 =	por !p2, p0  }
0x20: {  	[sflag:s8] =	ssyncset.s32 @!p0 $0xFFFFF086;
	s6 =	sadd.s32 @!p0 s3, s7;
	s7 =	simm.s32 @!p0 $0x108  }
0x21: {  	s3 =	sadd.s32 s3, s9;
	s6 =	sadd.s32 @!p0 $0x88, s6;
	s7 =	simm.s32 @p2 $0x1082  }
0x22: {  	[simem:s7], [sflag:s8] =	dma.local @!p0 [hbm:s6], $0xF7A  }
0x23: {  	s9 =	sor.u32 $0xD0000000, s2;
	s6 =	simm.s32 $0x108;
	_ =	swait.ge @!p0 [sflag:s8], $0x0  }
0x24: {  	s3 =	sadd.s32 $0x88, s3;
	s6 =	simm.s32 @!p1 $0x1082;
	[sflag:s4] =	ssyncset.s32 $0xFFFFF086  }
0x25: {  	[simem:s6], [sflag:s4] =	dma.local [hbm:s3], $0xF7A  }
0x26: {  	[smem:$0x3F9B] =	sst s1;
	(tag) =	ssettag s2;
	_ =	strace s9  }
0x27: {  	s1 =	sld [smem:$0x3FAB]  }
0x28: {  	s2 =	sld [smem:$0x3FAC]  }
0x29: {  	s4 =	sld [smem:$0x3FAE]  }
0x2a: {  	p0 =	seq.s32 s5, $0x0;
	s5 =	sld [smem:$0x3FAF]  }
0x2b: {  	s6 =	sld [smem:$0x3FB0]  }
0x2c: {  	s7 =	sld [smem:$0x3FB1]  }
0x2d: {  	s3 =	simm.s32 $0x108;
	s8 =	sld [smem:$0x3FB2]  }
0x2e: {  	s3 =	simm.s32 @!p0 $0x1082;
	s9 =	sld [smem:$0x3FB3]  }
0x2f: {  	lr =	sadd.s32 s0, s3;
	s0 =	sld [smem:$0x3FAA]  }
0x30: {  	s3 =	sld [smem:$0x3FAD]  }
0x31: {  	[smem:$0x3FB6] =	sst s10  }
0x32: {  	s10 =	sld [smem:$0x3FB4];
	_ =	sdelay $0x3  }
0x33: {  	p0 =	seq.s32 s10, $0x1;
	s10 =	sld [smem:$0x3FB6];
	_ =	sdelay $0x3  }
0x34: {  	[smem:$0x3FB6] =	sst s10  }
0x35: {  	s10 =	sld [smem:$0x3FB5];
	_ =	sdelay $0x3  }
0x36: {  	p1 =	seq.s32 s10, $0x1;
	s10 =	sld [smem:$0x3FB6];
	_ =	sdelay $0x3  }
0x37: {  	[smem:$0x3FB6] =	sst s10  }
0x38: {  	s10 =	sld [smem:$0x3FB7]  }
0x39: {  	_ = 	snop;
	(pc) =	sbr.ind lr, $3  }
0x3a: {  	_ = 	snop  }
0x3b: {  	_ = 	snop  }
0x3c: {  	p2 =	seq.s32 s10, $0x1;
	s10 =	sld [smem:$0x3FB6]  }
0x3d: {  	_ =	shalt  }
0x3e: {  	_ =	shalt  }
0x3f: {  	_ =	shalt  }
0x40: {  	_ =	shalt  }
0x41: {  	_ =	shalt  }
0x42: {  	_ =	shalt  }
0x43: {  	_ =	shalt  }
0x44: {  	_ =	shalt  }
0x45: {  	_ =	shalt  }
0x46: {  	_ =	shalt  }
0x47: {  	_ =	shalt  }
0x48: {  	_ =	shalt  }
0x49: {  	_ =	shalt  }
0x4a: {  	_ =	shalt  }
0x4b: {  	_ =	shalt  }
0x4c: {  	_ =	shalt  }
0x4d: {  	_ =	shalt  }
0x4e: {  	_ =	shalt  }
0x4f: {  	_ =	shalt  }
0x50: {  	_ =	shalt  }
0x51: {  	_ =	shalt  }
0x52: {  	_ =	shalt  }
0x53: {  	_ =	shalt  }
0x54: {  	_ =	shalt  }
0x55: {  	_ =	shalt  }
0x56: {  	_ =	shalt  }
0x57: {  	_ =	shalt  }
0x58: {  	_ =	shalt  }
0x59: {  	_ =	shalt  }
0x5a: {  	_ =	shalt  }
0x5b: {  	_ =	shalt  }
0x5c: {  	_ =	shalt  }
0x5d: {  	_ =	shalt  }
0x5e: {  	_ =	shalt  }
0x5f: {  	_ =	shalt  }
0x60: {  	_ =	shalt  }
0x61: {  	_ =	shalt  }
0x62: {  	_ =	shalt  }
0x63: {  	_ =	shalt  }
0x64: {  	_ =	shalt  }
0x65: {  	_ =	shalt  }
0x66: {  	_ =	shalt  }
0x67: {  	_ =	shalt  }
0x68: {  	_ =	shalt  }
0x69: {  	_ =	shalt  }
0x6a: {  	_ =	shalt  }
0x6b: {  	_ =	shalt  }
0x6c: {  	_ =	shalt  }
0x6d: {  	_ =	shalt  }
0x6e: {  	_ =	shalt  }
0x6f: {  	_ =	shalt  }
0x70: {  	_ =	shalt  }
0x71: {  	_ =	shalt  }
0x72: {  	_ =	shalt  }
0x73: {  	_ =	shalt  }
0x74: {  	_ =	shalt  }
0x75: {  	_ =	shalt  }
0x76: {  	_ =	shalt  }
0x77: {  	_ =	shalt  }
0x78: {  	_ =	shalt  }
0x79: {  	_ =	shalt  }
0x7a: {  	_ =	shalt  }
0x7b: {  	_ =	shalt  }
0x7c: {  	_ =	shalt  }
0x7d: {  	_ =	shalt  }
0x7e: {  	_ =	shalt  }
0x7f: {  	_ =	shalt  }
0x80: {  	_ =	shalt  }
0x81: {  	_ =	shalt  }
0x82: {  	_ =	shalt  }
0x83: {  	_ =	shalt  }
0x84: {  	_ =	shalt  }
0x85: {  	_ =	shalt  }
0x86: {  	_ =	shalt  }
0x87: {  	_ =	shalt  }
.Lfunc_end0:
.L_simem_size_0:
called_computation_lowered:
.L_overlay_start_0:
0x88: {  	s2 =	sld [smem:$0x3FD9]  }
0x89: {  	s3 =	sld [smem:$0x3FFE];
	_ =	sdelay $0x1  }
0x8a: {  	s1 =	srdreg.scid  }
0x8b: {  	s0 =	sand.u32 $0x1, s1  }
0x8c: {  	s17 =	sshll.u32 s0, $0xA;
	s2 =	sadd.s32 s3, s2  }
0x8d: {  	s2 =	sadd.s32 s2, s17  }
0x8e: {  	[smem:$0x3FC2] =	sst s2  }
0x8f: {  	_ = 	snop  }
0x90: {  	s2 =	sld [smem:$0x3FC9]  }
0x91: {  	s18 =	sld [smem:$0x3FC8]  }
0x92: {  	s4 =	sld [smem:$0x3FC5]  }
0x93: {  	s5 =	sld [smem:$0x3FC4]  }
0x94: {  	s6 =	sld [smem:$0x3FD0];
	(tm) =	ssettm $0x1  }
0x95: {  	s7 =	sld [smem:$0x3FFB];
	_ =	sdelay $0x3  }
0x96: {  	_ =	strace s7  }
0x97: {  	s7 =	sld [smem:$0x3FFC];
	_ =	sdelay $0x3  }
0x98: {  	_ =	strace s7  }
0x99: {  	s7 =	sld [smem:$0x3FFD];
	_ =	sdelay $0x3  }
0x9a: {  	_ =	strace s7  }
0x9b: {  	_ =	strace $0x8FFFFFFF  }
0x9c: {  	s19 =	sld [smem:$0x3FDB];
	_ =	sdelay $0x1  }
0x9d: {  	s8 =	simm.s32 $_scs_section_size  }
0x9e: {  	s9 =	simm.s32 $_size__tile_overlayer_lowered;
	s10 =	simm.s32 $_tile_overlayer_lowered  }
0x9f: {  	s22 =	simm.s32 $0x1BFF;
	s21 =	sshll.u32 s10, $0x1;
	s7 =	sadd.s32 s8, s19  }
0xa0: {  	s11 =	simm.s32 $0x0;
	s20 =	sshll.u32 s9, $0x1;
	s9 =	sadd.s32 s21, s7  }
0xa1: {  	[timem:s11], [sflag:s22] =	dma.local [hbm:s9], s20  }
0xa2: {  	_ =	swait.ge [sflag:s22], s20  }
0xa3: {  	s8 =	ssub.s32 $0x0, s20;
	[sflag:s22] =	ssyncset.done $0x0  }
0xa4: {  	[sflag:s22] =	ssyncadd.s32 s8;
	_ =	sdelay $0x1  }
0xa5: {  	s23 =	simm.s32 $0x1B8B  }
0xa6: {  	_ =	swait.ge [sflag:s23], $0x1  }
0xa7: {  	[sflag:s23] =	ssyncset.done $0x0  }
0xa8: {  	s25 =	simm.s32 $0x1B8E;
	s24 =	sld [smem:$0x3FFE];
	[sflag:s23] =	ssyncadd.s32 $0xFFFFFFFF  }
0xa9: {  	s26 =	simm.s32 $execute0_lowered;
	[smem:$0x3FD2] =	sst s25  }
0xaa: {  	s9 =	sshll.u32 s26, $0x1;
	_ =	strace $0x80000046;
	[dreg:$0x1] =	wrdreg $0xFFFFFFFF  }
0xab: {  	s28 =	simm.s32 $_size_execute0_lowered;
	s7 =	sadd.s32 s7, s9;
	[dreg:$0x0] =	wrdreg $0x0  }
0xac: {  	s9 =	sshll.u32 s28, $0x1;
	[dreg:$0x2] =	wrdreg s7  }
0xad: {  	[dreg:$0x3] =	wrdreg s9  }
0xae: {  	[dreg:$0x4] =	wrdreg $0xC0  }
0xaf: {  	_ =	task [dreg:s11], $0x5FFFF  }
0xb0: {  	[dreg:$0x1] =	wrdreg $0xFFFFFFFF  }
0xb1: {  	[dreg:$0x0] =	wrdreg $0x60  }
0xb2: {  	[dreg:$0x2] =	wrdreg s2  }
0xb3: {  	[dreg:$0x3] =	wrdreg s18  }
0xb4: {  	[dreg:$0x4] =	wrdreg s24  }
0xb5: {  	[dreg:$0x5] =	wrdreg s4  }
0xb6: {  	[dreg:$0x6] =	wrdreg s5  }
0xb7: {  	[dreg:$0x7] =	wrdreg s6  }
0xb8: {  	[dreg:$0x8] =	wrdreg $0x9  }
0xb9: {  	_ =	task.clear_ibuf [dreg:s11], $0x9FFFF;
	_ =	strace $0x90000046  }
0xba: {  	s29 =	simm.s32 $0x9;
	_ =	strace $0x80000048  }
0xbb: {  	_ =	swait.ge [sflag:s29], $0x1  }
0xbc: {  	[sflag:s29] =	ssyncadd.s32 $0xFFFFFFFF  }
0xbd: {  	_ =	strace $0x90000048  }
0xbe: {  	_ =	sfence  }
0xbf: {  	s30 =	sld [smem:$0x0];
	_ =	sdelay $0x2  }
0xc0: {  	s31 =	sshll.u32 s1, $0xD;
	s1 =	sshrl.u32 s1, $0x2  }
0xc1: {  	s3 =	sand.u32 $0x4000, s31;
	s1 =	sadd.s32 s1, s30  }
0xc2: {  	s0 =	sor.u32 s3, s0;
	s1 =	sshll.u32 s1, $0x11  }
0xc3: {  	s0 =	sor.u32 s1, s0  }
0xc4: {  	s0 =	sadd.s32 $0x8F2B, s0  }
0xc5: {  	[sflag:s0] =	ssyncadd.remote.s32 $0x1  }
0xc6: {  	_ =	sfence.sel $0xFFFF  }
0xc7: {  	[dreg:$0x0] =	wrdreg $0xFFFFFFFF;
	(pc) =	sbr.abs _section_cstart, $3  }
0xc8: {  	[dreg:$0x1] =	wrdreg $0xFFFFFFFF  }
0xc9: {  	_ =	task.clear_ibuf [dreg:s11], $0x2FFFF;
	_ =	strace $0x9FFFFFFF  }
0xca: {  	(tm) =	ssettm $0x7FFFFFFF  }
0xcb: {  	_ =	shalt  }
tec
execute0_lowered:
.L_overlay_start_1:
0x0: {  	(tag) =	ssettag $0x1  }
0x1: {  	s7 =	rddreg [dreg:$0x0]  }
0x2: {  	s8 =	rddreg [dreg:$0x1]  }
0x3: {  	s6 =	rddreg [dreg:$0x2]  }
0x4: {  	s1 =	rddreg [dreg:$0x3]  }
0x5: {  	s2 =	rddreg [dreg:$0x4]  }
0x6: {  	s9 =	rddreg [dreg:$0x5]  }
0x7: {  	s0 =	rddreg [dreg:$0x6]  }
0x8: {  	s4 =	simm.s32 $0x0;
	s5 =	srdreg.scid;
	s3 =	stileid.u32  }
0x9: {  	s14 =	simm.s32 $0x4400;
	s15 =	simm.s32 $0x8400;
	s16 =	simm.s32 $0x8600  }
0xa: {  	s17 =	simm.s32 $0x1;
	s18 =	simm.s32 $0x8800;
	s19 =	simm.s32 $0x0  }
0xb: {  	[smem:$0x7FF] =	sst s4;
	s5 =	sand.u32 $0x1, s5;
	s11 =	sshll.u32 s3, $0x7  }
0xc: {  	_ =	strace $0x80000047;
	s10 =	ssub.s32 $0x2, s5;
	s12 =	sshll.u32 s5, $0x6  }
0xd: {  	s5 =	sadd.s32 $0xF42800, s6;
	s6 =	sadd.s32 $0x1313200, s6;
	s13 =	sshrl.u32 s10, $0x1  }
0xe: {  	s11 =	sor.u32 s12, s11;
	s12 =	simm.s32 $0x200;
	s10 =	ssub.s32 s10, s13  }
0xf: {  	s7 =	sadd.s32 s7, s11;
	s8 =	sadd.s32 s8, s11;
	s9 =	sadd.s32 s9, s11  }
0x10: {  	vm0 =	vcmask $0x3F3C;
	s11 =	simm.s32 $0x2;
	s13 =	simm.s32 $0x400;
	s10 =	smax.u32 s10, $0x1  }
.LBB2_1:
0x11: {  	[tilespmem:s4], [sflag:$0x2] =	stream.linear.gather [hbm4b:s7+s4], $0x200, $0x38;
	[tilespmem:$0x8A10] =	vst v63  }
0x12: {  	_ =	swait.ge [sflag:s11], $0x200  }
0x13: {  	[sflag:s11] =	ssyncset.done $0x0  }
0x14: {  	[sflag:s11] =	ssyncadd.s32 $0xFFFFFE00  }
0x15: {  	[tilespmem:s12], [sflag:$0x2] =	stream.linear.gather [hbm4b:s8+s4], $0x200, $0x38;
	[tilespmem:$0x8A10] =	vst v63  }
0x16: {  	_ =	swait.ge [sflag:s11], $0x200  }
0x17: {  	[sflag:s11] =	ssyncset.done $0x0  }
0x18: {  	[sflag:s11] =	ssyncadd.s32 $0xFFFFFE00  }
0x19: {  	[tilespmem:s13], [sflag:$0x1] =	stream.indirect.gather [hbm4b:s5+s12], $0x20, s4, s12, $0xb8;
	[tilespmem:$0x8A10] =	vst v63  }
0x1a: {  	_ = 	snop  }
0x1b: {  	[tilespmem:s14], [sflag:$0x1] =	stream.indirect.gather [hbm4b:s6+s12], $0x20, s12, s12, $0xb8;
	[tilespmem:$0x8A10] =	vst v63  }
0x1c: {  	_ = 	snop  }
0x1d: {  	[tilespmem:s15], [sflag:$0x1] =	stream.indirect.gather [hbm4b:s1+s12], $0x1, s4, s12, $0xb8;
	[tilespmem:$0x8A10] =	vst v63  }
0x1e: {  	_ = 	snop  }
0x1f: {  	[tilespmem:s16], [sflag:$0x1] =	stream.indirect.gather [hbm4b:s2+s12], $0x1, s12, s12, $0xb8;
	[tilespmem:$0x8A10] =	vst v63  }
0x20: {  	_ =	swait.ge [sflag:s17], $0x4000  }
0x21: {  	[sflag:s17] =	ssyncset.done $0x0  }
0x22: {  	[sflag:s17] =	ssyncadd.s32 $0xFFFFC000  }
0x23: {  	_ =	swait.ge [sflag:s17], $0x4000  }
0x24: {  	[sflag:s17] =	ssyncset.done $0x0  }
0x25: {  	[sflag:s17] =	ssyncadd.s32 $0xFFFFC000  }
0x26: {  	_ =	swait.ge [sflag:s17], $0x200  }
0x27: {  	[sflag:s17] =	ssyncset.done $0x0  }
0x28: {  	[sflag:s17] =	ssyncadd.s32 $0xFFFFFE00  }
0x29: {  	_ =	swait.ge [sflag:s17], $0x200  }
0x2a: {  	[sflag:s17] =	ssyncset.done $0x0  }
0x2b: {  	s20 =	simm.s32 $0x440;
	[sflag:s17] =	ssyncadd.s32 $0xFFFFFE00  }
0x2c: {  	s22 =	simm.s32 $0x4440;
	v0 =	vld [tilespmem:s20+$0xFFFFFFC0]  }
0x2d: {  	v1 =	vld [tilespmem:s22+$0xFFFFFFD0]  }
0x2e: {  	v2 =	vld [tilespmem:s20+$0xFFFFFFD0]  }
0x2f: {  	v3 =	vld [tilespmem:s22+$0xFFFFFFC0];
	_ =	sdelay $0x4  }
0x30: {  	v1 =	vmul.f32 v1, v2;
	v0 =	vmul.f32 v3, v0;
	_ =	sdelay $0x1  }
0x31: {  	v0 =	vadd.f32 v1, v0;
	_ =	sdelay $0x1  }
0x32: {  	(xrf2) =	vadd.scan.msk.f32 $0xffff, v0;
	_ =	sdelay $0x9  }
0x33: {  	s21 =	simm.s32 $0x8802;
	v0, _, _ =	vpop (xrf2)  }
0x34: {  	[tilespmem:s21+$0xFFFFFFFE] =	vst.msk vm0, v0  }
0x35: {  	v0 =	vld [tilespmem:s22+$0xFFFFFFF0]  }
0x36: {  	v54 =	vld [tilespmem:s22+$0xFFFFFFE0]  }
0x37: {  	v55 =	vld [tilespmem:s20+$0xFFFFFFF0]  }
0x38: {  	v56 =	vld [tilespmem:s20+$0xFFFFFFE0];
	_ =	sdelay $0x4  }
0x39: {  	v0 =	vmul.f32 v0, v55;
	v1 =	vmul.f32 v54, v56;
	_ =	sdelay $0x1  }
0x3a: {  	v0 =	vadd.f32 v0, v1;
	_ =	sdelay $0x1  }
0x3b: {  	(xrf2) =	vadd.scan.msk.f32 $0xffff, v0;
	_ =	sdelay $0x9  }
0x3c: {  	v0, _, _ =	vpop (xrf2)  }
0x3d: {  	[tilespmem:s21+$0xFFFFFFFF] =	vst.msk vm0, v0  }
0x3e: {  	v0 =	vld [tilespmem:s20+$0x0]  }
0x3f: {  	v57 =	vld [tilespmem:s22+$0x0]  }
0x40: {  	v58 =	vld [tilespmem:s22+$0x10]  }
0x41: {  	v59 =	vld [tilespmem:s20+$0x10];
	_ =	sdelay $0x4  }
0x42: {  	v0 =	vmul.f32 v57, v0;
	v60 =	vmul.f32 v58, v59;
	_ =	sdelay $0x1  }
0x43: {  	v0 =	vadd.f32 v60, v0;
	_ =	sdelay $0x1  }
0x44: {  	(xrf2) =	vadd.scan.msk.f32 $0xffff, v0;
	_ =	sdelay $0x9  }
0x45: {  	v0, _, _ =	vpop (xrf2)  }
0x46: {  	[tilespmem:s21+$0x0] =	vst.msk vm0, v0  }
0x47: {  	v0 =	vld [tilespmem:s20+$0x20]  }
0x48: {  	v61 =	vld [tilespmem:s22+$0x30]  }
0x49: {  	v62 =	vld [tilespmem:s22+$0x20]  }
0x4a: {  	v63 =	vld [tilespmem:s20+$0x30];
	_ =	sdelay $0x4  }
0x4b: {  	v0 =	vmul.f32 v62, v0;
	v1 =	vmul.f32 v61, v63;
	_ =	sdelay $0x1  }
0x4c: {  	v0 =	vadd.f32 v1, v0;
	_ =	sdelay $0x1  }
0x4d: {  	(xrf2) =	vadd.scan.msk.f32 $0xffff, v0  }
0x4e: {  	s24 =	simm.s32 $0x44C0;
	s23 =	simm.s32 $0x8802;
	s22 =	simm.s32 $0x0  }
.LBB2_2:
0x4f: {  	s22 =	sadd.s32 $0x4, s22;
	s21 =	sadd.s32 $0x4, s21;
	s20 =	sadd.s32 $0x80, s20  }
0x50: {  	p0 =	slt.u32 s22, $0x1FC;
	_ =	sdelay $0x6  }
0x51: {  	v0, _, _ =	vpop (xrf2)  }
0x52: {  	[tilespmem:s23+$0x1] =	vst.msk vm0, v0;
	s23 =	smov.u32 s21  }
0x53: {  	v0 =	vld [tilespmem:s20+$0xFFFFFFC0]  }
0x54: {  	v1 =	vld [tilespmem:s24+$0xFFFFFFD0]  }
0x55: {  	v2 =	vld [tilespmem:s20+$0xFFFFFFD0]  }
0x56: {  	v3 =	vld [tilespmem:s24+$0xFFFFFFC0];
	_ =	sdelay $0x3  }
0x57: {  	v1 =	vmul.f32 v1, v2  }
0x58: {  	v0 =	vmul.f32 v3, v0;
	_ =	sdelay $0x1  }
0x59: {  	v0 =	vadd.f32 v1, v0;
	_ =	sdelay $0x1  }
0x5a: {  	(xrf2) =	vadd.scan.msk.f32 $0xffff, v0;
	_ =	sdelay $0x9  }
0x5b: {  	v0, _, _ =	vpop (xrf2)  }
0x5c: {  	[tilespmem:s21+$0xFFFFFFFE] =	vst.msk vm0, v0  }
0x5d: {  	v0 =	vld [tilespmem:s24+$0xFFFFFFF0]  }
0x5e: {  	v1 =	vld [tilespmem:s24+$0xFFFFFFE0]  }
0x5f: {  	v2 =	vld [tilespmem:s20+$0xFFFFFFF0]  }
0x60: {  	v3 =	vld [tilespmem:s20+$0xFFFFFFE0];
	_ =	sdelay $0x3  }
0x61: {  	v0 =	vmul.f32 v0, v2  }
0x62: {  	v1 =	vmul.f32 v1, v3;
	_ =	sdelay $0x1  }
0x63: {  	v0 =	vadd.f32 v0, v1;
	_ =	sdelay $0x1  }
0x64: {  	(xrf2) =	vadd.scan.msk.f32 $0xffff, v0;
	_ =	sdelay $0x9  }
0x65: {  	v0, _, _ =	vpop (xrf2)  }
0x66: {  	[tilespmem:s21+$0xFFFFFFFF] =	vst.msk vm0, v0  }
0x67: {  	v0 =	vld [tilespmem:s20+$0x0]  }
0x68: {  	v1 =	vld [tilespmem:s24+$0x0]  }
0x69: {  	v2 =	vld [tilespmem:s24+$0x10]  }
0x6a: {  	v3 =	vld [tilespmem:s20+$0x10];
	_ =	sdelay $0x2  }
0x6b: {  	v0 =	vmul.f32 v1, v0;
	_ =	sdelay $0x1  }
0x6c: {  	v1 =	vmul.f32 v2, v3;
	_ =	sdelay $0x1  }
0x6d: {  	v0 =	vadd.f32 v1, v0;
	_ =	sdelay $0x1  }
0x6e: {  	(xrf2) =	vadd.scan.msk.f32 $0xffff, v0;
	_ =	sdelay $0x9  }
0x6f: {  	v0, _, _ =	vpop (xrf2)  }
0x70: {  	[tilespmem:s21+$0x0] =	vst.msk vm0, v0  }
0x71: {  	v0 =	vld [tilespmem:s20+$0x20]  }
0x72: {  	v1 =	vld [tilespmem:s24+$0x30]  }
0x73: {  	v2 =	vld [tilespmem:s24+$0x20]  }
0x74: {  	v3 =	vld [tilespmem:s20+$0x30];
	_ =	sdelay $0x3  }
0x75: {  	v0 =	vmul.f32 v2, v0  }
0x76: {  	v1 =	vmul.f32 v1, v3  }
.Ltmp0:
0x77: {  	(pc) =	sbr.rel @p0 .LBB2_2-.Ltmp0, $3  }
0x78: {  	v0 =	vadd.f32 v1, v0;
	_ =	sdelay $0x1  }
0x79: {  	(xrf2) =	vadd.scan.msk.f32 $0xffff, v0  }
0x7a: {  	s24 =	sadd.s32 $0x80, s24  }
0x7b: {  	_ =	sdelay $0x7  }
0x7c: {  	v0, _, _ =	vpop (xrf2)  }
0x7d: {  	[tilespmem:s23+$0x1] =	vst.msk vm0, v0  }
0x7e: {  	v0 =	vld [tilespmem:$0x8800]  }
0x7f: {  	v1 =	vld [tilespmem:$0x8400]  }
0x80: {  	v2 =	vld [tilespmem:$0x8600]  }
0x81: {  	v3 =	vld [tilespmem:$0x8810]  }
0x82: {  	v4 =	vld [tilespmem:$0x8410]  }
0x83: {  	v5 =	vld [tilespmem:$0x8610]  }
0x84: {  	v6 =	vld [tilespmem:$0x8820]  }
0x85: {  	v7 =	vld [tilespmem:$0x8420]  }
0x86: {  	v8 =	vld [tilespmem:$0x8620]  }
0x87: {  	v9 =	vld [tilespmem:$0x8830]  }
0x88: {  	v10 =	vld [tilespmem:$0x8430]  }
0x89: {  	v11 =	vld [tilespmem:$0x8630]  }
0x8a: {  	v12 =	vld [tilespmem:$0x8840]  }
0x8b: {  	v13 =	vld [tilespmem:$0x8440]  }
0x8c: {  	v14 =	vld [tilespmem:$0x8640]  }
0x8d: {  	v15 =	vld [tilespmem:$0x8850]  }
0x8e: {  	v16 =	vld [tilespmem:$0x8450]  }
0x8f: {  	v17 =	vld [tilespmem:$0x8650]  }
0x90: {  	v18 =	vld [tilespmem:$0x8860]  }
0x91: {  	v19 =	vld [tilespmem:$0x8460]  }
0x92: {  	v20 =	vld [tilespmem:$0x8660]  }
0x93: {  	v21 =	vld [tilespmem:$0x8870]  }
0x94: {  	v22 =	vld [tilespmem:$0x8470]  }
0x95: {  	v23 =	vld [tilespmem:$0x8670]  }
0x96: {  	v24 =	vld [tilespmem:$0x8880]  }
0x97: {  	v25 =	vld [tilespmem:$0x8480]  }
0x98: {  	v26 =	vld [tilespmem:$0x8680]  }
0x99: {  	v27 =	vld [tilespmem:$0x8890]  }
0x9a: {  	v28 =	vld [tilespmem:$0x8490]  }
0x9b: {  	v29 =	vld [tilespmem:$0x8690]  }
0x9c: {  	v30 =	vld [tilespmem:$0x88A0]  }
0x9d: {  	v31 =	vld [tilespmem:$0x84A0]  }
0x9e: {  	v32 =	vld [tilespmem:$0x86A0]  }
0x9f: {  	v33 =	vld [tilespmem:$0x88B0]  }
0xa0: {  	v34 =	vld [tilespmem:$0x84B0]  }
0xa1: {  	v35 =	vld [tilespmem:$0x86B0]  }
0xa2: {  	v36 =	vld [tilespmem:$0x88C0]  }
0xa3: {  	v37 =	vld [tilespmem:$0x84C0]  }
0xa4: {  	v38 =	vld [tilespmem:$0x86C0]  }
0xa5: {  	v39 =	vld [tilespmem:$0x88D0]  }
0xa6: {  	v40 =	vld [tilespmem:$0x84D0]  }
0xa7: {  	v41 =	vld [tilespmem:$0x86D0]  }
0xa8: {  	v42 =	vld [tilespmem:$0x88E0]  }
0xa9: {  	v43 =	vld [tilespmem:$0x84E0]  }
0xaa: {  	v44 =	vld [tilespmem:$0x86E0]  }
0xab: {  	v45 =	vld [tilespmem:$0x88F0]  }
0xac: {  	v46 =	vld [tilespmem:$0x84F0]  }
0xad: {  	v47 =	vld [tilespmem:$0x86F0]  }
0xae: {  	v48 =	vld [tilespmem:$0x8900]  }
0xaf: {  	v49 =	vld [tilespmem:$0x8500]  }
0xb0: {  	v53 =	vld [tilespmem:$0x8700]  }
0xb1: {  	v51 =	vld [tilespmem:$0x8910]  }
0xb2: {  	v52 =	vld [tilespmem:$0x8510]  }
0xb3: {  	v56 =	vld [tilespmem:$0x8710]  }
0xb4: {  	v54 =	vld [tilespmem:$0x8920]  }
0xb5: {  	v55 =	vld [tilespmem:$0x8520]  }
0xb6: {  	v62 =	vld [tilespmem:$0x8720]  }
0xb7: {  	v57 =	vld [tilespmem:$0x8930]  }
0xb8: {  	v58 =	vld [tilespmem:$0x8530]  }
0xb9: {  	v63 =	vld [tilespmem:$0x8740]  }
0xba: {  	v50 =	vld [tilespmem:$0x8730]  }
0xbb: {  	v59 =	vld [tilespmem:$0x8750]  }
0xbc: {  	v60 =	vld [tilespmem:$0x8940]  }
0xbd: {  	v61 =	vld [tilespmem:$0x8540]  }
0xbe: {  	[tilespmem:$0x1FFE0] =	vst v63;
	v63 =	vld [tilespmem:$0x8950]  }
0xbf: {  	[tilespmem:$0x1FFD0] =	vst v50;
	v50 =	vld [tilespmem:$0x8550]  }
0xc0: {  	[tilespmem:$0x1FFF0] =	vst v59;
	v59 =	vld [tilespmem:$0x8960]  }
0xc1: {  	v0 =	vadd.f32 v1, v0;
	v1 =	vld [tilespmem:$0x8560]  }
0xc2: {  	v3 =	vadd.f32 v4, v3;
	v4 =	vld [tilespmem:$0x8760]  }
0xc3: {  	v54 =	vadd.f32 v55, v54;
	v55 =	vld [tilespmem:$0x85C0]  }
0xc4: {  	v0 =	vadd.f32 v2, v0;
	v2 =	vadd.f32 v7, v6;
	v6 =	vld [tilespmem:$0x8970]  }
0xc5: {  	v12 =	vadd.f32 v13, v12;
	v7 =	vld [tilespmem:$0x8570]  }
0xc6: {  	v3 =	vadd.f32 v5, v3;
	v5 =	vadd.f32 v10, v9;
	v9 =	vld [tilespmem:$0x8980]  }
0xc7: {  	v15 =	vadd.f32 v16, v15;
	v10 =	vld [tilespmem:$0x8580]  }
0xc8: {  	v18 =	vadd.f32 v19, v18;
	v16 =	vadd.f32 v14, v12;
	v12 =	vld [tilespmem:$0x8990];
	[tilespmem:$0x8800] =	vst v0  }
0xc9: {  	v21 =	vadd.f32 v22, v21;
	v19 =	vadd.f32 v17, v15;
	v15 =	vld [tilespmem:$0x89A0];
	[tilespmem:$0x8810] =	vst v3  }
0xca: {  	v24 =	vadd.f32 v25, v24;
	v22 =	vadd.f32 v20, v18;
	v17 =	vld [tilespmem:$0x87A0];
	[tilespmem:$0x8840] =	vst v16  }
0xcb: {  	v27 =	vadd.f32 v28, v27;
	v25 =	vadd.f32 v23, v21;
	v18 =	vld [tilespmem:$0x89B0];
	[tilespmem:$0x8850] =	vst v19  }
0xcc: {  	v30 =	vadd.f32 v31, v30;
	v28 =	vadd.f32 v26, v24;
	v20 =	vld [tilespmem:$0x87B0];
	[tilespmem:$0x8860] =	vst v22  }
0xcd: {  	v33 =	vadd.f32 v34, v33;
	v31 =	vadd.f32 v29, v27;
	v21 =	vld [tilespmem:$0x89C0];
	[tilespmem:$0x8870] =	vst v25  }
0xce: {  	v36 =	vadd.f32 v37, v36;
	v34 =	vadd.f32 v32, v30;
	v30 =	vld [tilespmem:$0x87C0];
	[tilespmem:$0x8880] =	vst v28  }
0xcf: {  	v39 =	vadd.f32 v40, v39;
	v37 =	vadd.f32 v35, v33;
	v33 =	vld [tilespmem:$0x89D0];
	[tilespmem:$0x8890] =	vst v31  }
0xd0: {  	v42 =	vadd.f32 v43, v42;
	v40 =	vadd.f32 v38, v36;
	v36 =	vld [tilespmem:$0x85D0];
	[tilespmem:$0x88A0] =	vst v34  }
0xd1: {  	v45 =	vadd.f32 v46, v45;
	v43 =	vadd.f32 v41, v39;
	v38 =	vld [tilespmem:$0x87D0];
	[tilespmem:$0x88B0] =	vst v37  }
0xd2: {  	v48 =	vadd.f32 v49, v48;
	v46 =	vadd.f32 v44, v42;
	v39 =	vld [tilespmem:$0x1FFF0];
	[tilespmem:$0x88C0] =	vst v40  }
0xd3: {  	v49 =	vadd.f32 v47, v45;
	v41 =	vld [tilespmem:$0x89E0];
	[tilespmem:$0x88D0] =	vst v43  }
0xd4: {  	v53 =	vadd.f32 v53, v48;
	v44 =	vld [tilespmem:$0x85E0];
	[tilespmem:$0x88E0] =	vst v46  }
0xd5: {  	v52 =	vadd.f32 v52, v51;
	v0 =	vadd.f32 v8, v2;
	[tilespmem:$0x88F0] =	vst v49;
	v34 =	vld [tilespmem:$0x1FFD0]  }
0xd6: {  	v29 =	vadd.f32 v58, v57;
	v13 =	vadd.f32 v11, v5;
	[tilespmem:$0x8900] =	vst v53;
	v37 =	vld [tilespmem:$0x1FFE0]  }
0xd7: {  	v8 =	vld [tilespmem:$0x8770];
	v28 =	vadd.f32 v56, v52;
	v1 =	vadd.f32 v1, v59;
	[tilespmem:$0x8820] =	vst v0  }
0xd8: {  	v32 =	vadd.f32 v61, v60;
	v11 =	vld [tilespmem:$0x8780];
	v31 =	vadd.f32 v62, v54;
	[tilespmem:$0x8830] =	vst v13  }
0xd9: {  	v47 =	vld [tilespmem:$0x89F0];
	v35 =	vadd.f32 v50, v63;
	[tilespmem:$0x8910] =	vst v28;
	v42 =	vadd.f32 v4, v1  }
0xda: {  	v16 =	vld [tilespmem:$0x85A0];
	[tilespmem:$0x8920] =	vst v31;
	v40 =	vadd.f32 v7, v6;
	v3 =	vadd.f32 v34, v29  }
0xdb: {  	v53 =	vld [tilespmem:$0x87E0];
	v43 =	vadd.f32 v10, v9;
	v0 =	vadd.f32 v37, v32;
	[tilespmem:$0x8960] =	vst v42  }
0xdc: {  	v19 =	vld [tilespmem:$0x85B0];
	v55 =	vadd.f32 v55, v21;
	v45 =	vadd.f32 v8, v40;
	[tilespmem:$0x8930] =	vst v3  }
0xdd: {  	v50 =	vld [tilespmem:$0x85F0];
	v58 =	vadd.f32 v36, v33;
	v48 =	vadd.f32 v11, v43;
	[tilespmem:$0x8940] =	vst v0  }
0xde: {  	v13 =	vld [tilespmem:$0x8590];
	v60 =	vadd.f32 v44, v41;
	v59 =	vadd.f32 v30, v55;
	[tilespmem:$0x8970] =	vst v45  }
0xdf: {  	v56 =	vld [tilespmem:$0x87F0];
	v2 =	vadd.f32 v38, v58;
	[tilespmem:$0x8980] =	vst v48  }
0xe0: {  	v14 =	vld [tilespmem:$0x8790];
	v49 =	vadd.f32 v16, v15;
	v62 =	vadd.f32 v53, v60;
	[tilespmem:$0x89C0] =	vst v59  }
0xe1: {  	v52 =	vadd.f32 v19, v18;
	v3 =	vadd.f32 v39, v35;
	[tilespmem:$0x89D0] =	vst v2  }
0xe2: {  	v61 =	vadd.f32 v50, v47;
	v54 =	vadd.f32 v17, v49;
	[tilespmem:$0x89E0] =	vst v62  }
0xe3: {  	v46 =	vadd.f32 v13, v12;
	v57 =	vadd.f32 v20, v52;
	[tilespmem:$0x8950] =	vst v3  }
0xe4: {  	v63 =	vadd.f32 v56, v61;
	[tilespmem:$0x89A0] =	vst v54  }
0xe5: {  	s19 =	sadd.s32 $0x1, s19;
	v51 =	vadd.f32 v14, v46;
	[tilespmem:$0x89B0] =	vst v57  }
0xe6: {  	p0 =	sne.s32 s19, s10;
	[tilespmem:$0x89F0] =	vst v63  }
.Ltmp1:
0xe7: {  	[tilespmem:$0x8990] =	vst v51;
	(pc) =	sbr.rel @p0 .LBB2_1-.Ltmp1, $4  }
0xe8: {  	[hbm4b:s9+s4] =	stream.linear.scatter [tilespmem:s18], [sflag:$0x2], $0x200, $0x38;
	[tilespmem:$0x8A10] =	vst v63  }
0xe9: {  	_ =	swait.ge [sflag:s11], $0x200  }
0xea: {  	[sflag:s11] =	ssyncset.done $0x0  }
0xeb: {  	[sflag:s11] =	ssyncadd.s32 $0xFFFFFE00  }
0xec: {  	_ =	sfence.sel $0x180000  }
0xed: {  	[bflag:$0x0] =	sbarrier.arrive $0xFFFF  }
0xee: {  	p0 =	sne.s32 s3, $0x0;
	_ =	strace $0x90000047  }
0xef: {  	s0 =	sadd.s32 @!p0 $0x100000, s0;
	[bflag:$0x2] =	sbarrier.arrive $0xFFFF  }
0xf0: {  	[sflag:s0] =	ssyncadd.tile.s32 @!p0 $0x1;
	_ =	shalt  }
.Lfunc_end2:
_tile_overlayer_lowered:
.L_overlay_start_2:
0xf1: {  	(tag) =	ssettag $0x2  }
0xf2: {  	s0 =	rddreg [dreg:$0x0];
	s2 =	stileid.u32  }
0xf3: {  	s1 =	rddreg [dreg:$0x1];
	p0 =	sne.s32 s2, $0x0  }
0xf4: {  	s3 =	rddreg [dreg:$0x2];
	[bflag:$0x3] =	sbarrier.arrive $0xFFFF;
	s2 =	simm.s32 @!p0 $0x1C02  }
0xf5: {  	[timem:s3], [sflag:s2] =	dma.local @!p0 [hbm:s0], s1  }
0xf6: {  	s0 =	simm.s32 @!p0 $0x2  }
0xf7: {  	_ =	swait.ge @!p0 [sflag:s0], s1  }
0xf8: {  	s1 =	ssub.s32 @!p0 $0x0, s1;
	[sflag:s0] =	ssyncset.done @!p0 $0x0  }
0xf9: {  	[sflag:s0] =	ssyncadd.s32 @!p0 s1  }
0xfa: {  	[bflag:$0x3] =	sbarrier.arrive $0xFFFF  }
0xfb: {  	_ =	shalt  }

</sc_bundles>
